<compile_context>
chip_gen: v7x
topology: tpu7x:2x2x1
jax: 0.10.2.dev20260603
libtpu: 0.0.44.dev20260713+nightly
codegen_flags: <defaults>
</compile_context>

<pallas_src>
import functools

import jax
import jax.numpy as jnp
from jax import lax
from jax.experimental import pallas as pl
from jax.experimental.pallas import tpu as pltpu
from jax.experimental.pallas import tpu_sc as plsc

_CHUNK = 128


@functools.cache
def _build(V, D, B):
    info = plsc.get_sparse_core_info()
    NC, NS = info.num_cores, info.num_subcores
    NW = NC * NS
    b_per_w = B // NW
    n_ch = b_per_w // _CHUNK
    stage_rows = 128
    mesh = plsc.VectorSubcoreMesh(core_axis_name="c", subcore_axis_name="s")

    @functools.partial(
        pl.kernel,
        mesh=mesh,
        out_type=jax.ShapeDtypeStruct((B, D), jnp.float32),
        scratch_types=[
            pltpu.VMEM_SHARED((V, D), jnp.float32),
            pltpu.VMEM((n_ch, _CHUNK), jnp.int32),
            pltpu.VMEM((n_ch, _CHUNK, D), jnp.float32),
            pltpu.SemaphoreType.DMA,
            pltpu.SemaphoreType.DMA,
            pltpu.SemaphoreType.DMA,
        ],
    )
    def k(table_hbm, idx_hbm, out_hbm, tab_s, idx_v, rows_v, tsem, gsem, osem):
        c = lax.axis_index("c")
        s = lax.axis_index("s")
        wid = s * NC + c

        n_stage = (V + stage_rows - 1) // stage_rows
        for i in range(n_stage):
            r0 = i * stage_rows
            nrows = min(stage_rows, V - r0)

            @pl.when(s == i)
            def _stage_table(r0=r0, nrows=nrows):
                pltpu.async_copy(
                    table_hbm.at[pl.ds(r0, nrows)],
                    tab_s.at[pl.ds(r0, nrows)],
                    tsem,
                ).wait()

        pltpu.sync_copy(idx_hbm.at[wid], idx_v)
        plsc.subcore_barrier()

        gathers = []
        for j in range(n_ch):
            gathers.append(
                pltpu.async_copy(tab_s.at[idx_v.at[j]], rows_v.at[j], gsem)
            )
        outs = []
        for j in range(n_ch):
            gathers[j].wait()
            outs.append(
                pltpu.async_copy(
                    rows_v.at[j],
                    out_hbm.at[pl.ds(wid * b_per_w + j * _CHUNK, _CHUNK)],
                    osem,
                )
            )
        for o in outs:
            o.wait()

    return k, NW, n_ch


def kernel(class_number, embedding):
    V, D = embedding.shape
    B = class_number.shape[0]
    k, NW, n_ch = _build(V, D, B)
    idx = class_number.astype(jnp.int32).reshape(NW, n_ch, _CHUNK)
    return k(embedding, idx)

# --- scband reference (transcript-rebuilt; emitter-appended) ---
"""Pipeline reference for scband-latent-shapes-8349416423430 (READ-ONLY COPY).

The authoritative reference and input builder live on the scoring server;
editing this copy changes nothing except your own understanding.
"""

import jax, jax.numpy as jnp
import numpy as np

VOCAB = 1000
EMBED_DIM = 128
BATCH = 16384
NOISE_MIN = -0.05
NOISE_MAX = 0.05


def setup_inputs(seed: int = 0) -> dict:
    key = jax.random.key(seed)
    k_idx, k_latent, k_noise = jax.random.split(key, 3)
    class_number = jax.random.randint(k_idx, (BATCH,), 0, VOCAB, dtype=jnp.int64 if jax.config.jax_enable_x64 else jnp.int32)
    # latent_shapes tensor passed to __init__
    latent_shapes = jax.random.normal(k_latent, (VOCAB, EMBED_DIM), dtype=jnp.float32)
    # noise = noise_min + rand_like(latent_shapes) * (noise_max - noise_min)
    noise = NOISE_MIN + jax.random.uniform(k_noise, (VOCAB, EMBED_DIM), dtype=jnp.float32) * (NOISE_MAX - NOISE_MIN)
    # learned parameter: embedding = latent_shapes + noise
    embedding = latent_shapes + noise
    return {"class_number": class_number, "embedding": embedding}


def reference(class_number, embedding):
    # forward: self.embedding[class_number]  -> gather rows
    return jnp.take(embedding, class_number, axis=0)

if __name__ == "__main__":
    import jax
    _d = setup_inputs()
    print(jax.jit(kernel)(*tuple(_d.values())))

</pallas_src>

<mosaic_0001>
#map = affine_map<(d0, d1) -> (0, 0)>
#map1 = affine_map<(d0, d1) -> (0, 0, 0)>
module attributes {stable_mosaic.version = 14 : i64} {
  func.func @k(%arg0: i32, %arg1: i32, %arg2: memref<1000x128xf32, #tpu.memory_space<hbm>>, %arg3: memref<32x4x128xi32, #tpu.memory_space<hbm>>, %arg4: memref<16384x128xf32, #tpu.memory_space<hbm>>, %arg5: memref<1000x128xf32, #tpu.memory_space<vmem_shared>>, %arg6: memref<4x128xi32, #tpu.memory_space<vmem>>, %arg7: memref<4x128x128xf32, #tpu.memory_space<vmem>>, %arg8: memref<!tpu.dma_semaphore, #tpu.memory_space<semaphore_mem>>, %arg9: memref<!tpu.dma_semaphore, #tpu.memory_space<semaphore_mem>>, %arg10: memref<!tpu.dma_semaphore, #tpu.memory_space<semaphore_mem>>) attributes {dimension_semantics = [#tpu.dimension_semantics<core_parallel>, #tpu.dimension_semantics<subcore_parallel>], iteration_bounds = array<i64: 2, 16>, scalar_prefetch = 0 : i64, scratch_operands = 6 : i64, tpu.core_type = #tpu.core_type<sc_vector_subcore>, window_params = [{transform_indices = #map}, {transform_indices = #map1}, {transform_indices = #map}]} {
    %mul3A = arith.constant 2 : i32
    %mul3A_0 = arith.muli %arg1, %mul3A : i32
    %add3A = arith.addi %mul3A_0, %arg0 : i32
    %eq3A = arith.constant 0 : i32
    %eq3A_1 = arith.cmpi eq, %arg1, %eq3A : i32
    %convert_element_type3A = arith.extui %eq3A_1 : i1 to i32
    %cond3A = arith.constant 0 : i32
    %cond3A_2 = arith.cmpi ne, %convert_element_type3A, %cond3A : i32
    scf.if %cond3A_2 {
      %dma_start3A_252 = arith.constant 0 : i32
      %dma_start3A_253 = arith.constant 0 : i32
      %dma_start3A_254 = tpu.memref_slice %arg5[%dma_start3A_252, %dma_start3A_253] : memref<1000x128xf32, #tpu.memory_space<vmem_shared>> -> memref<128x128xf32, #tpu.memory_space<vmem_shared>>
      %dma_start3A_255 = arith.constant 0 : i32
      %dma_start3A_256 = arith.constant 0 : i32
      %dma_start3A_257 = tpu.memref_slice %arg2[%dma_start3A_255, %dma_start3A_256] : memref<1000x128xf32, #tpu.memory_space<hbm>> -> memref<128x128xf32, #tpu.memory_space<hbm>>
      tpu.enqueue_dma source(%dma_start3A_257 : memref<128x128xf32, #tpu.memory_space<hbm>>) target(%dma_start3A_254 : memref<128x128xf32, #tpu.memory_space<vmem_shared>>) target_semaphore(%arg8 : memref<!tpu.dma_semaphore, #tpu.memory_space<semaphore_mem>>)
      %dma_wait3A_258 = arith.constant 0 : i32
      %dma_wait3A_259 = arith.constant 0 : i32
      %dma_wait3A_260 = tpu.memref_slice %arg5[%dma_wait3A_258, %dma_wait3A_259] : memref<1000x128xf32, #tpu.memory_space<vmem_shared>> -> memref<128x128xf32, #tpu.memory_space<vmem_shared>>
      %dma_wait3A_261 = arith.constant 0 : i32
      %dma_wait3A_262 = arith.constant 0 : i32
      %dma_wait3A_263 = tpu.memref_slice %arg2[%dma_wait3A_261, %dma_wait3A_262] : memref<1000x128xf32, #tpu.memory_space<hbm>> -> memref<128x128xf32, #tpu.memory_space<hbm>>
      tpu.wait_dma2 semaphore(%arg8 : memref<!tpu.dma_semaphore, #tpu.memory_space<semaphore_mem>>) src(%dma_wait3A_263 : memref<128x128xf32, #tpu.memory_space<hbm>>) dst(%dma_wait3A_260 : memref<128x128xf32, #tpu.memory_space<vmem_shared>>)
    } else {
    }
    %eq3A_3 = arith.constant 1 : i32
    %eq3A_4 = arith.cmpi eq, %arg1, %eq3A_3 : i32
    %convert_element_type3A_5 = arith.extui %eq3A_4 : i1 to i32
    %cond3A_6 = arith.constant 0 : i32
    %cond3A_7 = arith.cmpi ne, %convert_element_type3A_5, %cond3A_6 : i32
    scf.if %cond3A_7 {
      %dma_start3A_252 = arith.constant 128 : i32
      %dma_start3A_253 = arith.constant 0 : i32
      %dma_start3A_254 = tpu.memref_slice %arg5[%dma_start3A_252, %dma_start3A_253] : memref<1000x128xf32, #tpu.memory_space<vmem_shared>> -> memref<128x128xf32, #tpu.memory_space<vmem_shared>>
      %dma_start3A_255 = arith.constant 128 : i32
      %dma_start3A_256 = arith.constant 0 : i32
      %dma_start3A_257 = tpu.memref_slice %arg2[%dma_start3A_255, %dma_start3A_256] : memref<1000x128xf32, #tpu.memory_space<hbm>> -> memref<128x128xf32, #tpu.memory_space<hbm>>
      tpu.enqueue_dma source(%dma_start3A_257 : memref<128x128xf32, #tpu.memory_space<hbm>>) target(%dma_start3A_254 : memref<128x128xf32, #tpu.memory_space<vmem_shared>>) target_semaphore(%arg8 : memref<!tpu.dma_semaphore, #tpu.memory_space<semaphore_mem>>)
      %dma_wait3A_258 = arith.constant 128 : i32
      %dma_wait3A_259 = arith.constant 0 : i32
      %dma_wait3A_260 = tpu.memref_slice %arg5[%dma_wait3A_258, %dma_wait3A_259] : memref<1000x128xf32, #tpu.memory_space<vmem_shared>> -> memref<128x128xf32, #tpu.memory_space<vmem_shared>>
      %dma_wait3A_261 = arith.constant 128 : i32
      %dma_wait3A_262 = arith.constant 0 : i32
      %dma_wait3A_263 = tpu.memref_slice %arg2[%dma_wait3A_261, %dma_wait3A_262] : memref<1000x128xf32, #tpu.memory_space<hbm>> -> memref<128x128xf32, #tpu.memory_space<hbm>>
      tpu.wait_dma2 semaphore(%arg8 : memref<!tpu.dma_semaphore, #tpu.memory_space<semaphore_mem>>) src(%dma_wait3A_263 : memref<128x128xf32, #tpu.memory_space<hbm>>) dst(%dma_wait3A_260 : memref<128x128xf32, #tpu.memory_space<vmem_shared>>)
    } else {
    }
    %eq3A_8 = arith.constant 2 : i32
    %eq3A_9 = arith.cmpi eq, %arg1, %eq3A_8 : i32
    %convert_element_type3A_10 = arith.extui %eq3A_9 : i1 to i32
    %cond3A_11 = arith.constant 0 : i32
    %cond3A_12 = arith.cmpi ne, %convert_element_type3A_10, %cond3A_11 : i32
    scf.if %cond3A_12 {
      %dma_start3A_252 = arith.constant 256 : i32
      %dma_start3A_253 = arith.constant 0 : i32
      %dma_start3A_254 = tpu.memref_slice %arg5[%dma_start3A_252, %dma_start3A_253] : memref<1000x128xf32, #tpu.memory_space<vmem_shared>> -> memref<128x128xf32, #tpu.memory_space<vmem_shared>>
      %dma_start3A_255 = arith.constant 256 : i32
      %dma_start3A_256 = arith.constant 0 : i32
      %dma_start3A_257 = tpu.memref_slice %arg2[%dma_start3A_255, %dma_start3A_256] : memref<1000x128xf32, #tpu.memory_space<hbm>> -> memref<128x128xf32, #tpu.memory_space<hbm>>
      tpu.enqueue_dma source(%dma_start3A_257 : memref<128x128xf32, #tpu.memory_space<hbm>>) target(%dma_start3A_254 : memref<128x128xf32, #tpu.memory_space<vmem_shared>>) target_semaphore(%arg8 : memref<!tpu.dma_semaphore, #tpu.memory_space<semaphore_mem>>)
      %dma_wait3A_258 = arith.constant 256 : i32
      %dma_wait3A_259 = arith.constant 0 : i32
      %dma_wait3A_260 = tpu.memref_slice %arg5[%dma_wait3A_258, %dma_wait3A_259] : memref<1000x128xf32, #tpu.memory_space<vmem_shared>> -> memref<128x128xf32, #tpu.memory_space<vmem_shared>>
      %dma_wait3A_261 = arith.constant 256 : i32
      %dma_wait3A_262 = arith.constant 0 : i32
      %dma_wait3A_263 = tpu.memref_slice %arg2[%dma_wait3A_261, %dma_wait3A_262] : memref<1000x128xf32, #tpu.memory_space<hbm>> -> memref<128x128xf32, #tpu.memory_space<hbm>>
      tpu.wait_dma2 semaphore(%arg8 : memref<!tpu.dma_semaphore, #tpu.memory_space<semaphore_mem>>) src(%dma_wait3A_263 : memref<128x128xf32, #tpu.memory_space<hbm>>) dst(%dma_wait3A_260 : memref<128x128xf32, #tpu.memory_space<vmem_shared>>)
    } else {
    }
    %eq3A_13 = arith.constant 3 : i32
    %eq3A_14 = arith.cmpi eq, %arg1, %eq3A_13 : i32
    %convert_element_type3A_15 = arith.extui %eq3A_14 : i1 to i32
    %cond3A_16 = arith.constant 0 : i32
    %cond3A_17 = arith.cmpi ne, %convert_element_type3A_15, %cond3A_16 : i32
    scf.if %cond3A_17 {
      %dma_start3A_252 = arith.constant 384 : i32
      %dma_start3A_253 = arith.constant 0 : i32
      %dma_start3A_254 = tpu.memref_slice %arg5[%dma_start3A_252, %dma_start3A_253] : memref<1000x128xf32, #tpu.memory_space<vmem_shared>> -> memref<128x128xf32, #tpu.memory_space<vmem_shared>>
      %dma_start3A_255 = arith.constant 384 : i32
      %dma_start3A_256 = arith.constant 0 : i32
      %dma_start3A_257 = tpu.memref_slice %arg2[%dma_start3A_255, %dma_start3A_256] : memref<1000x128xf32, #tpu.memory_space<hbm>> -> memref<128x128xf32, #tpu.memory_space<hbm>>
      tpu.enqueue_dma source(%dma_start3A_257 : memref<128x128xf32, #tpu.memory_space<hbm>>) target(%dma_start3A_254 : memref<128x128xf32, #tpu.memory_space<vmem_shared>>) target_semaphore(%arg8 : memref<!tpu.dma_semaphore, #tpu.memory_space<semaphore_mem>>)
      %dma_wait3A_258 = arith.constant 384 : i32
      %dma_wait3A_259 = arith.constant 0 : i32
      %dma_wait3A_260 = tpu.memref_slice %arg5[%dma_wait3A_258, %dma_wait3A_259] : memref<1000x128xf32, #tpu.memory_space<vmem_shared>> -> memref<128x128xf32, #tpu.memory_space<vmem_shared>>
      %dma_wait3A_261 = arith.constant 384 : i32
      %dma_wait3A_262 = arith.constant 0 : i32
      %dma_wait3A_263 = tpu.memref_slice %arg2[%dma_wait3A_261, %dma_wait3A_262] : memref<1000x128xf32, #tpu.memory_space<hbm>> -> memref<128x128xf32, #tpu.memory_space<hbm>>
      tpu.wait_dma2 semaphore(%arg8 : memref<!tpu.dma_semaphore, #tpu.memory_space<semaphore_mem>>) src(%dma_wait3A_263 : memref<128x128xf32, #tpu.memory_space<hbm>>) dst(%dma_wait3A_260 : memref<128x128xf32, #tpu.memory_space<vmem_shared>>)
    } else {
    }
    %eq3A_18 = arith.constant 4 : i32
    %eq3A_19 = arith.cmpi eq, %arg1, %eq3A_18 : i32
    %convert_element_type3A_20 = arith.extui %eq3A_19 : i1 to i32
    %cond3A_21 = arith.constant 0 : i32
    %cond3A_22 = arith.cmpi ne, %convert_element_type3A_20, %cond3A_21 : i32
    scf.if %cond3A_22 {
      %dma_start3A_252 = arith.constant 512 : i32
      %dma_start3A_253 = arith.constant 0 : i32
      %dma_start3A_254 = tpu.memref_slice %arg5[%dma_start3A_252, %dma_start3A_253] : memref<1000x128xf32, #tpu.memory_space<vmem_shared>> -> memref<128x128xf32, #tpu.memory_space<vmem_shared>>
      %dma_start3A_255 = arith.constant 512 : i32
      %dma_start3A_256 = arith.constant 0 : i32
      %dma_start3A_257 = tpu.memref_slice %arg2[%dma_start3A_255, %dma_start3A_256] : memref<1000x128xf32, #tpu.memory_space<hbm>> -> memref<128x128xf32, #tpu.memory_space<hbm>>
      tpu.enqueue_dma source(%dma_start3A_257 : memref<128x128xf32, #tpu.memory_space<hbm>>) target(%dma_start3A_254 : memref<128x128xf32, #tpu.memory_space<vmem_shared>>) target_semaphore(%arg8 : memref<!tpu.dma_semaphore, #tpu.memory_space<semaphore_mem>>)
      %dma_wait3A_258 = arith.constant 512 : i32
      %dma_wait3A_259 = arith.constant 0 : i32
      %dma_wait3A_260 = tpu.memref_slice %arg5[%dma_wait3A_258, %dma_wait3A_259] : memref<1000x128xf32, #tpu.memory_space<vmem_shared>> -> memref<128x128xf32, #tpu.memory_space<vmem_shared>>
      %dma_wait3A_261 = arith.constant 512 : i32
      %dma_wait3A_262 = arith.constant 0 : i32
      %dma_wait3A_263 = tpu.memref_slice %arg2[%dma_wait3A_261, %dma_wait3A_262] : memref<1000x128xf32, #tpu.memory_space<hbm>> -> memref<128x128xf32, #tpu.memory_space<hbm>>
      tpu.wait_dma2 semaphore(%arg8 : memref<!tpu.dma_semaphore, #tpu.memory_space<semaphore_mem>>) src(%dma_wait3A_263 : memref<128x128xf32, #tpu.memory_space<hbm>>) dst(%dma_wait3A_260 : memref<128x128xf32, #tpu.memory_space<vmem_shared>>)
    } else {
    }
    %eq3A_23 = arith.constant 5 : i32
    %eq3A_24 = arith.cmpi eq, %arg1, %eq3A_23 : i32
    %convert_element_type3A_25 = arith.extui %eq3A_24 : i1 to i32
    %cond3A_26 = arith.constant 0 : i32
    %cond3A_27 = arith.cmpi ne, %convert_element_type3A_25, %cond3A_26 : i32
    scf.if %cond3A_27 {
      %dma_start3A_252 = arith.constant 640 : i32
      %dma_start3A_253 = arith.constant 0 : i32
      %dma_start3A_254 = tpu.memref_slice %arg5[%dma_start3A_252, %dma_start3A_253] : memref<1000x128xf32, #tpu.memory_space<vmem_shared>> -> memref<128x128xf32, #tpu.memory_space<vmem_shared>>
      %dma_start3A_255 = arith.constant 640 : i32
      %dma_start3A_256 = arith.constant 0 : i32
      %dma_start3A_257 = tpu.memref_slice %arg2[%dma_start3A_255, %dma_start3A_256] : memref<1000x128xf32, #tpu.memory_space<hbm>> -> memref<128x128xf32, #tpu.memory_space<hbm>>
      tpu.enqueue_dma source(%dma_start3A_257 : memref<128x128xf32, #tpu.memory_space<hbm>>) target(%dma_start3A_254 : memref<128x128xf32, #tpu.memory_space<vmem_shared>>) target_semaphore(%arg8 : memref<!tpu.dma_semaphore, #tpu.memory_space<semaphore_mem>>)
      %dma_wait3A_258 = arith.constant 640 : i32
      %dma_wait3A_259 = arith.constant 0 : i32
      %dma_wait3A_260 = tpu.memref_slice %arg5[%dma_wait3A_258, %dma_wait3A_259] : memref<1000x128xf32, #tpu.memory_space<vmem_shared>> -> memref<128x128xf32, #tpu.memory_space<vmem_shared>>
      %dma_wait3A_261 = arith.constant 640 : i32
      %dma_wait3A_262 = arith.constant 0 : i32
      %dma_wait3A_263 = tpu.memref_slice %arg2[%dma_wait3A_261, %dma_wait3A_262] : memref<1000x128xf32, #tpu.memory_space<hbm>> -> memref<128x128xf32, #tpu.memory_space<hbm>>
      tpu.wait_dma2 semaphore(%arg8 : memref<!tpu.dma_semaphore, #tpu.memory_space<semaphore_mem>>) src(%dma_wait3A_263 : memref<128x128xf32, #tpu.memory_space<hbm>>) dst(%dma_wait3A_260 : memref<128x128xf32, #tpu.memory_space<vmem_shared>>)
    } else {
    }
    %eq3A_28 = arith.constant 6 : i32
    %eq3A_29 = arith.cmpi eq, %arg1, %eq3A_28 : i32
    %convert_element_type3A_30 = arith.extui %eq3A_29 : i1 to i32
    %cond3A_31 = arith.constant 0 : i32
    %cond3A_32 = arith.cmpi ne, %convert_element_type3A_30, %cond3A_31 : i32
    scf.if %cond3A_32 {
      %dma_start3A_252 = arith.constant 768 : i32
      %dma_start3A_253 = arith.constant 0 : i32
      %dma_start3A_254 = tpu.memref_slice %arg5[%dma_start3A_252, %dma_start3A_253] : memref<1000x128xf32, #tpu.memory_space<vmem_shared>> -> memref<128x128xf32, #tpu.memory_space<vmem_shared>>
      %dma_start3A_255 = arith.constant 768 : i32
      %dma_start3A_256 = arith.constant 0 : i32
      %dma_start3A_257 = tpu.memref_slice %arg2[%dma_start3A_255, %dma_start3A_256] : memref<1000x128xf32, #tpu.memory_space<hbm>> -> memref<128x128xf32, #tpu.memory_space<hbm>>
      tpu.enqueue_dma source(%dma_start3A_257 : memref<128x128xf32, #tpu.memory_space<hbm>>) target(%dma_start3A_254 : memref<128x128xf32, #tpu.memory_space<vmem_shared>>) target_semaphore(%arg8 : memref<!tpu.dma_semaphore, #tpu.memory_space<semaphore_mem>>)
      %dma_wait3A_258 = arith.constant 768 : i32
      %dma_wait3A_259 = arith.constant 0 : i32
      %dma_wait3A_260 = tpu.memref_slice %arg5[%dma_wait3A_258, %dma_wait3A_259] : memref<1000x128xf32, #tpu.memory_space<vmem_shared>> -> memref<128x128xf32, #tpu.memory_space<vmem_shared>>
      %dma_wait3A_261 = arith.constant 768 : i32
      %dma_wait3A_262 = arith.constant 0 : i32
      %dma_wait3A_263 = tpu.memref_slice %arg2[%dma_wait3A_261, %dma_wait3A_262] : memref<1000x128xf32, #tpu.memory_space<hbm>> -> memref<128x128xf32, #tpu.memory_space<hbm>>
      tpu.wait_dma2 semaphore(%arg8 : memref<!tpu.dma_semaphore, #tpu.memory_space<semaphore_mem>>) src(%dma_wait3A_263 : memref<128x128xf32, #tpu.memory_space<hbm>>) dst(%dma_wait3A_260 : memref<128x128xf32, #tpu.memory_space<vmem_shared>>)
    } else {
    }
    %eq3A_33 = arith.constant 7 : i32
    %eq3A_34 = arith.cmpi eq, %arg1, %eq3A_33 : i32
    %convert_element_type3A_35 = arith.extui %eq3A_34 : i1 to i32
    %cond3A_36 = arith.constant 0 : i32
    %cond3A_37 = arith.cmpi ne, %convert_element_type3A_35, %cond3A_36 : i32
    scf.if %cond3A_37 {
      %dma_start3A_252 = arith.constant 896 : i32
      %dma_start3A_253 = arith.constant 0 : i32
      %dma_start3A_254 = tpu.memref_slice %arg5[%dma_start3A_252, %dma_start3A_253] : memref<1000x128xf32, #tpu.memory_space<vmem_shared>> -> memref<104x128xf32, #tpu.memory_space<vmem_shared>>
      %dma_start3A_255 = arith.constant 896 : i32
      %dma_start3A_256 = arith.constant 0 : i32
      %dma_start3A_257 = tpu.memref_slice %arg2[%dma_start3A_255, %dma_start3A_256] : memref<1000x128xf32, #tpu.memory_space<hbm>> -> memref<104x128xf32, #tpu.memory_space<hbm>>
      tpu.enqueue_dma source(%dma_start3A_257 : memref<104x128xf32, #tpu.memory_space<hbm>>) target(%dma_start3A_254 : memref<104x128xf32, #tpu.memory_space<vmem_shared>>) target_semaphore(%arg8 : memref<!tpu.dma_semaphore, #tpu.memory_space<semaphore_mem>>)
      %dma_wait3A_258 = arith.constant 896 : i32
      %dma_wait3A_259 = arith.constant 0 : i32
      %dma_wait3A_260 = tpu.memref_slice %arg5[%dma_wait3A_258, %dma_wait3A_259] : memref<1000x128xf32, #tpu.memory_space<vmem_shared>> -> memref<104x128xf32, #tpu.memory_space<vmem_shared>>
      %dma_wait3A_261 = arith.constant 896 : i32
      %dma_wait3A_262 = arith.constant 0 : i32
      %dma_wait3A_263 = tpu.memref_slice %arg2[%dma_wait3A_261, %dma_wait3A_262] : memref<1000x128xf32, #tpu.memory_space<hbm>> -> memref<104x128xf32, #tpu.memory_space<hbm>>
      tpu.wait_dma2 semaphore(%arg8 : memref<!tpu.dma_semaphore, #tpu.memory_space<semaphore_mem>>) src(%dma_wait3A_263 : memref<104x128xf32, #tpu.memory_space<hbm>>) dst(%dma_wait3A_260 : memref<104x128xf32, #tpu.memory_space<vmem_shared>>)
    } else {
    }
    "tpu.region"() ({
      %run_scoped3A = tpu.sem_alloc : memref<!tpu.dma_semaphore, #tpu.memory_space<semaphore_mem>>
      %dma_start3A_252 = arith.constant 0 : i32
      %dma_start3A_253 = arith.constant 0 : i32
      %dma_start3A_254 = tpu.memref_slice %arg3[%add3A, %dma_start3A_252, %dma_start3A_253] : memref<32x4x128xi32, #tpu.memory_space<hbm>> -> memref<1x4x128xi32, #tpu.memory_space<hbm>>
      %dma_start3A_255 = tpu.memref_squeeze %dma_start3A_254 : memref<1x4x128xi32, #tpu.memory_space<hbm>> -> memref<4x128xi32, #tpu.memory_space<hbm>>
      %dma_start3A_256 = arith.constant 0 : i32
      %dma_start3A_257 = arith.constant 0 : i32
      %dma_start3A_258 = tpu.memref_slice %arg3[%add3A, %dma_start3A_256, %dma_start3A_257] : memref<32x4x128xi32, #tpu.memory_space<hbm>> -> memref<1x4x128xi32, #tpu.memory_space<hbm>>
      %dma_start3A_259 = tpu.memref_squeeze %dma_start3A_258 : memref<1x4x128xi32, #tpu.memory_space<hbm>> -> memref<4x128xi32, #tpu.memory_space<hbm>>
      tpu.enqueue_dma source(%dma_start3A_259 : memref<4x128xi32, #tpu.memory_space<hbm>>) target(%arg6 : memref<4x128xi32, #tpu.memory_space<vmem>>) target_semaphore(%run_scoped3A : memref<!tpu.dma_semaphore, #tpu.memory_space<semaphore_mem>>)
      %dma_wait3A_260 = arith.constant 0 : i32
      %dma_wait3A_261 = arith.constant 0 : i32
      %dma_wait3A_262 = tpu.memref_slice %arg3[%add3A, %dma_wait3A_260, %dma_wait3A_261] : memref<32x4x128xi32, #tpu.memory_space<hbm>> -> memref<1x4x128xi32, #tpu.memory_space<hbm>>
      %dma_wait3A_263 = tpu.memref_squeeze %dma_wait3A_262 : memref<1x4x128xi32, #tpu.memory_space<hbm>> -> memref<4x128xi32, #tpu.memory_space<hbm>>
      %dma_wait3A_264 = arith.constant 0 : i32
      %dma_wait3A_265 = arith.constant 0 : i32
      %dma_wait3A_266 = tpu.memref_slice %arg3[%add3A, %dma_wait3A_264, %dma_wait3A_265] : memref<32x4x128xi32, #tpu.memory_space<hbm>> -> memref<1x4x128xi32, #tpu.memory_space<hbm>>
      %dma_wait3A_267 = tpu.memref_squeeze %dma_wait3A_266 : memref<1x4x128xi32, #tpu.memory_space<hbm>> -> memref<4x128xi32, #tpu.memory_space<hbm>>
      tpu.wait_dma2 semaphore(%run_scoped3A : memref<!tpu.dma_semaphore, #tpu.memory_space<semaphore_mem>>) src(%dma_wait3A_267 : memref<4x128xi32, #tpu.memory_space<hbm>>) dst(%arg6 : memref<4x128xi32, #tpu.memory_space<vmem>>)
      tpu.yield
    }) : () -> ()
    %barrier3A = arith.constant 0 : index
    tpu.barrier barrier_id(%barrier3A)
    %dma_start3A = arith.constant 0 : i32
    %dma_start3A_38 = arith.constant 0 : i32
    %dma_start3A_39 = arith.constant 0 : i32
    %dma_start3A_40 = arith.constant 0 : i32
    %dma_start3A_41 = tpu.memref_slice %arg7[%dma_start3A_38, %dma_start3A_39, %dma_start3A_40] : memref<4x128x128xf32, #tpu.memory_space<vmem>> -> memref<1x128x128xf32, #tpu.memory_space<vmem>>
    %dma_start3A_42 = tpu.memref_squeeze %dma_start3A_41 : memref<1x128x128xf32, #tpu.memory_space<vmem>> -> memref<128x128xf32, #tpu.memory_space<vmem>>
    %dma_start3A_43 = arith.constant 0 : i32
    %dma_start3A_44 = tpu.memref_slice %arg6[%dma_start3A, %dma_start3A_43] : memref<4x128xi32, #tpu.memory_space<vmem>> -> memref<1x128xi32, #tpu.memory_space<vmem>>
    %dma_start3A_45 = tpu.memref_squeeze %dma_start3A_44 : memref<1x128xi32, #tpu.memory_space<vmem>> -> memref<128xi32, #tpu.memory_space<vmem>>
    %dma_start3A_46 = arith.constant 0 : i32
    %dma_start3A_47 = arith.constant 0 : i32
    %dma_start3A_48 = tpu.memref_slice %arg5[%dma_start3A_46, %dma_start3A_47] : memref<1000x128xf32, #tpu.memory_space<vmem_shared>> -> memref<1000x128xf32, #tpu.memory_space<vmem_shared>>
    tpu.enqueue_indirect_dma source(%dma_start3A_48 : memref<1000x128xf32, #tpu.memory_space<vmem_shared>>) target(%dma_start3A_42 : memref<128x128xf32, #tpu.memory_space<vmem>>) offsets(%dma_start3A_45 : memref<128xi32, #tpu.memory_space<vmem>>) semaphore(%arg9 : memref<!tpu.dma_semaphore, #tpu.memory_space<semaphore_mem>>)
    %dma_start3A_49 = arith.constant 1 : i32
    %dma_start3A_50 = arith.constant 1 : i32
    %dma_start3A_51 = arith.constant 0 : i32
    %dma_start3A_52 = arith.constant 0 : i32
    %dma_start3A_53 = tpu.memref_slice %arg7[%dma_start3A_50, %dma_start3A_51, %dma_start3A_52] : memref<4x128x128xf32, #tpu.memory_space<vmem>> -> memref<1x128x128xf32, #tpu.memory_space<vmem>>
    %dma_start3A_54 = tpu.memref_squeeze %dma_start3A_53 : memref<1x128x128xf32, #tpu.memory_space<vmem>> -> memref<128x128xf32, #tpu.memory_space<vmem>>
    %dma_start3A_55 = arith.constant 0 : i32
    %dma_start3A_56 = tpu.memref_slice %arg6[%dma_start3A_49, %dma_start3A_55] : memref<4x128xi32, #tpu.memory_space<vmem>> -> memref<1x128xi32, #tpu.memory_space<vmem>>
    %dma_start3A_57 = tpu.memref_squeeze %dma_start3A_56 : memref<1x128xi32, #tpu.memory_space<vmem>> -> memref<128xi32, #tpu.memory_space<vmem>>
    %dma_start3A_58 = arith.constant 0 : i32
    %dma_start3A_59 = arith.constant 0 : i32
    %dma_start3A_60 = tpu.memref_slice %arg5[%dma_start3A_58, %dma_start3A_59] : memref<1000x128xf32, #tpu.memory_space<vmem_shared>> -> memref<1000x128xf32, #tpu.memory_space<vmem_shared>>
    tpu.enqueue_indirect_dma source(%dma_start3A_60 : memref<1000x128xf32, #tpu.memory_space<vmem_shared>>) target(%dma_start3A_54 : memref<128x128xf32, #tpu.memory_space<vmem>>) offsets(%dma_start3A_57 : memref<128xi32, #tpu.memory_space<vmem>>) semaphore(%arg9 : memref<!tpu.dma_semaphore, #tpu.memory_space<semaphore_mem>>)
    %dma_start3A_61 = arith.constant 2 : i32
    %dma_start3A_62 = arith.constant 2 : i32
    %dma_start3A_63 = arith.constant 0 : i32
    %dma_start3A_64 = arith.constant 0 : i32
    %dma_start3A_65 = tpu.memref_slice %arg7[%dma_start3A_62, %dma_start3A_63, %dma_start3A_64] : memref<4x128x128xf32, #tpu.memory_space<vmem>> -> memref<1x128x128xf32, #tpu.memory_space<vmem>>
    %dma_start3A_66 = tpu.memref_squeeze %dma_start3A_65 : memref<1x128x128xf32, #tpu.memory_space<vmem>> -> memref<128x128xf32, #tpu.memory_space<vmem>>
    %dma_start3A_67 = arith.constant 0 : i32
    %dma_start3A_68 = tpu.memref_slice %arg6[%dma_start3A_61, %dma_start3A_67] : memref<4x128xi32, #tpu.memory_space<vmem>> -> memref<1x128xi32, #tpu.memory_space<vmem>>
    %dma_start3A_69 = tpu.memref_squeeze %dma_start3A_68 : memref<1x128xi32, #tpu.memory_space<vmem>> -> memref<128xi32, #tpu.memory_space<vmem>>
    %dma_start3A_70 = arith.constant 0 : i32
    %dma_start3A_71 = arith.constant 0 : i32
    %dma_start3A_72 = tpu.memref_slice %arg5[%dma_start3A_70, %dma_start3A_71] : memref<1000x128xf32, #tpu.memory_space<vmem_shared>> -> memref<1000x128xf32, #tpu.memory_space<vmem_shared>>
    tpu.enqueue_indirect_dma source(%dma_start3A_72 : memref<1000x128xf32, #tpu.memory_space<vmem_shared>>) target(%dma_start3A_66 : memref<128x128xf32, #tpu.memory_space<vmem>>) offsets(%dma_start3A_69 : memref<128xi32, #tpu.memory_space<vmem>>) semaphore(%arg9 : memref<!tpu.dma_semaphore, #tpu.memory_space<semaphore_mem>>)
    %dma_start3A_73 = arith.constant 3 : i32
    %dma_start3A_74 = arith.constant 3 : i32
    %dma_start3A_75 = arith.constant 0 : i32
    %dma_start3A_76 = arith.constant 0 : i32
    %dma_start3A_77 = tpu.memref_slice %arg7[%dma_start3A_74, %dma_start3A_75, %dma_start3A_76] : memref<4x128x128xf32, #tpu.memory_space<vmem>> -> memref<1x128x128xf32, #tpu.memory_space<vmem>>
    %dma_start3A_78 = tpu.memref_squeeze %dma_start3A_77 : memref<1x128x128xf32, #tpu.memory_space<vmem>> -> memref<128x128xf32, #tpu.memory_space<vmem>>
    %dma_start3A_79 = arith.constant 0 : i32
    %dma_start3A_80 = tpu.memref_slice %arg6[%dma_start3A_73, %dma_start3A_79] : memref<4x128xi32, #tpu.memory_space<vmem>> -> memref<1x128xi32, #tpu.memory_space<vmem>>
    %dma_start3A_81 = tpu.memref_squeeze %dma_start3A_80 : memref<1x128xi32, #tpu.memory_space<vmem>> -> memref<128xi32, #tpu.memory_space<vmem>>
    %dma_start3A_82 = arith.constant 0 : i32
    %dma_start3A_83 = arith.constant 0 : i32
    %dma_start3A_84 = tpu.memref_slice %arg5[%dma_start3A_82, %dma_start3A_83] : memref<1000x128xf32, #tpu.memory_space<vmem_shared>> -> memref<1000x128xf32, #tpu.memory_space<vmem_shared>>
    tpu.enqueue_indirect_dma source(%dma_start3A_84 : memref<1000x128xf32, #tpu.memory_space<vmem_shared>>) target(%dma_start3A_78 : memref<128x128xf32, #tpu.memory_space<vmem>>) offsets(%dma_start3A_81 : memref<128xi32, #tpu.memory_space<vmem>>) semaphore(%arg9 : memref<!tpu.dma_semaphore, #tpu.memory_space<semaphore_mem>>)
    %dma_wait3A = arith.constant 0 : i32
    %dma_wait3A_85 = arith.constant 0 : i32
    %dma_wait3A_86 = arith.constant 0 : i32
    %dma_wait3A_87 = arith.constant 0 : i32
    %dma_wait3A_88 = tpu.memref_slice %arg7[%dma_wait3A_85, %dma_wait3A_86, %dma_wait3A_87] : memref<4x128x128xf32, #tpu.memory_space<vmem>> -> memref<1x128x128xf32, #tpu.memory_space<vmem>>
    %dma_wait3A_89 = tpu.memref_squeeze %dma_wait3A_88 : memref<1x128x128xf32, #tpu.memory_space<vmem>> -> memref<128x128xf32, #tpu.memory_space<vmem>>
    %dma_wait3A_90 = arith.constant 0 : i32
    %dma_wait3A_91 = tpu.memref_slice %arg6[%dma_wait3A, %dma_wait3A_90] : memref<4x128xi32, #tpu.memory_space<vmem>> -> memref<1x128xi32, #tpu.memory_space<vmem>>
    %dma_wait3A_92 = tpu.memref_squeeze %dma_wait3A_91 : memref<1x128xi32, #tpu.memory_space<vmem>> -> memref<128xi32, #tpu.memory_space<vmem>>
    %dma_wait3A_93 = arith.constant 0 : i32
    %dma_wait3A_94 = arith.constant 0 : i32
    %dma_wait3A_95 = tpu.memref_slice %arg5[%dma_wait3A_93, %dma_wait3A_94] : memref<1000x128xf32, #tpu.memory_space<vmem_shared>> -> memref<1000x128xf32, #tpu.memory_space<vmem_shared>>
    tpu.wait_indirect_dma semaphore(%arg9 : memref<!tpu.dma_semaphore, #tpu.memory_space<semaphore_mem>>) src(%dma_wait3A_95 : memref<1000x128xf32, #tpu.memory_space<vmem_shared>>) dst(%dma_wait3A_89 : memref<128x128xf32, #tpu.memory_space<vmem>>)
    %mul3A_96 = arith.constant 512 : i32
    %mul3A_97 = arith.muli %add3A, %mul3A_96 : i32
    %add3A_98 = arith.constant 0 : i32
    %add3A_99 = arith.addi %mul3A_97, %add3A_98 : i32
    %dma_start3A_100 = arith.constant 0 : i32
    %dma_start3A_101 = arith.constant 0 : i32
    %dma_start3A_102 = arith.constant 0 : i32
    %dma_start3A_103 = tpu.memref_slice %arg7[%dma_start3A_100, %dma_start3A_101, %dma_start3A_102] : memref<4x128x128xf32, #tpu.memory_space<vmem>> -> memref<1x128x128xf32, #tpu.memory_space<vmem>>
    %dma_start3A_104 = tpu.memref_squeeze %dma_start3A_103 : memref<1x128x128xf32, #tpu.memory_space<vmem>> -> memref<128x128xf32, #tpu.memory_space<vmem>>
    %dma_start3A_105 = arith.constant 0 : i32
    %dma_start3A_106 = tpu.memref_slice %arg4[%add3A_99, %dma_start3A_105] : memref<16384x128xf32, #tpu.memory_space<hbm>> -> memref<128x128xf32, #tpu.memory_space<hbm>>
    %dma_start3A_107 = arith.constant 0 : i32
    %dma_start3A_108 = tpu.memref_slice %arg4[%add3A_99, %dma_start3A_107] : memref<16384x128xf32, #tpu.memory_space<hbm>> -> memref<128x128xf32, #tpu.memory_space<hbm>>
    %dma_start3A_109 = arith.constant 0 : i32
    %dma_start3A_110 = arith.constant 0 : i32
    %dma_start3A_111 = tpu.memref_slice %arg7[%dma_start3A_100, %dma_start3A_109, %dma_start3A_110] : memref<4x128x128xf32, #tpu.memory_space<vmem>> -> memref<1x128x128xf32, #tpu.memory_space<vmem>>
    %dma_start3A_112 = tpu.memref_squeeze %dma_start3A_111 : memref<1x128x128xf32, #tpu.memory_space<vmem>> -> memref<128x128xf32, #tpu.memory_space<vmem>>
    tpu.enqueue_dma source(%dma_start3A_112 : memref<128x128xf32, #tpu.memory_space<vmem>>) target(%dma_start3A_108 : memref<128x128xf32, #tpu.memory_space<hbm>>) target_semaphore(%arg10 : memref<!tpu.dma_semaphore, #tpu.memory_space<semaphore_mem>>)
    %dma_wait3A_113 = arith.constant 1 : i32
    %dma_wait3A_114 = arith.constant 1 : i32
    %dma_wait3A_115 = arith.constant 0 : i32
    %dma_wait3A_116 = arith.constant 0 : i32
    %dma_wait3A_117 = tpu.memref_slice %arg7[%dma_wait3A_114, %dma_wait3A_115, %dma_wait3A_116] : memref<4x128x128xf32, #tpu.memory_space<vmem>> -> memref<1x128x128xf32, #tpu.memory_space<vmem>>
    %dma_wait3A_118 = tpu.memref_squeeze %dma_wait3A_117 : memref<1x128x128xf32, #tpu.memory_space<vmem>> -> memref<128x128xf32, #tpu.memory_space<vmem>>
    %dma_wait3A_119 = arith.constant 0 : i32
    %dma_wait3A_120 = tpu.memref_slice %arg6[%dma_wait3A_113, %dma_wait3A_119] : memref<4x128xi32, #tpu.memory_space<vmem>> -> memref<1x128xi32, #tpu.memory_space<vmem>>
    %dma_wait3A_121 = tpu.memref_squeeze %dma_wait3A_120 : memref<1x128xi32, #tpu.memory_space<vmem>> -> memref<128xi32, #tpu.memory_space<vmem>>
    %dma_wait3A_122 = arith.constant 0 : i32
    %dma_wait3A_123 = arith.constant 0 : i32
    %dma_wait3A_124 = tpu.memref_slice %arg5[%dma_wait3A_122, %dma_wait3A_123] : memref<1000x128xf32, #tpu.memory_space<vmem_shared>> -> memref<1000x128xf32, #tpu.memory_space<vmem_shared>>
    tpu.wait_indirect_dma semaphore(%arg9 : memref<!tpu.dma_semaphore, #tpu.memory_space<semaphore_mem>>) src(%dma_wait3A_124 : memref<1000x128xf32, #tpu.memory_space<vmem_shared>>) dst(%dma_wait3A_118 : memref<128x128xf32, #tpu.memory_space<vmem>>)
    %mul3A_125 = arith.constant 512 : i32
    %mul3A_126 = arith.muli %add3A, %mul3A_125 : i32
    %add3A_127 = arith.constant 128 : i32
    %add3A_128 = arith.addi %mul3A_126, %add3A_127 : i32
    %dma_start3A_129 = arith.constant 1 : i32
    %dma_start3A_130 = arith.constant 0 : i32
    %dma_start3A_131 = arith.constant 0 : i32
    %dma_start3A_132 = tpu.memref_slice %arg7[%dma_start3A_129, %dma_start3A_130, %dma_start3A_131] : memref<4x128x128xf32, #tpu.memory_space<vmem>> -> memref<1x128x128xf32, #tpu.memory_space<vmem>>
    %dma_start3A_133 = tpu.memref_squeeze %dma_start3A_132 : memref<1x128x128xf32, #tpu.memory_space<vmem>> -> memref<128x128xf32, #tpu.memory_space<vmem>>
    %dma_start3A_134 = arith.constant 0 : i32
    %dma_start3A_135 = tpu.memref_slice %arg4[%add3A_128, %dma_start3A_134] : memref<16384x128xf32, #tpu.memory_space<hbm>> -> memref<128x128xf32, #tpu.memory_space<hbm>>
    %dma_start3A_136 = arith.constant 0 : i32
    %dma_start3A_137 = tpu.memref_slice %arg4[%add3A_128, %dma_start3A_136] : memref<16384x128xf32, #tpu.memory_space<hbm>> -> memref<128x128xf32, #tpu.memory_space<hbm>>
    %dma_start3A_138 = arith.constant 0 : i32
    %dma_start3A_139 = arith.constant 0 : i32
    %dma_start3A_140 = tpu.memref_slice %arg7[%dma_start3A_129, %dma_start3A_138, %dma_start3A_139] : memref<4x128x128xf32, #tpu.memory_space<vmem>> -> memref<1x128x128xf32, #tpu.memory_space<vmem>>
    %dma_start3A_141 = tpu.memref_squeeze %dma_start3A_140 : memref<1x128x128xf32, #tpu.memory_space<vmem>> -> memref<128x128xf32, #tpu.memory_space<vmem>>
    tpu.enqueue_dma source(%dma_start3A_141 : memref<128x128xf32, #tpu.memory_space<vmem>>) target(%dma_start3A_137 : memref<128x128xf32, #tpu.memory_space<hbm>>) target_semaphore(%arg10 : memref<!tpu.dma_semaphore, #tpu.memory_space<semaphore_mem>>)
    %dma_wait3A_142 = arith.constant 2 : i32
    %dma_wait3A_143 = arith.constant 2 : i32
    %dma_wait3A_144 = arith.constant 0 : i32
    %dma_wait3A_145 = arith.constant 0 : i32
    %dma_wait3A_146 = tpu.memref_slice %arg7[%dma_wait3A_143, %dma_wait3A_144, %dma_wait3A_145] : memref<4x128x128xf32, #tpu.memory_space<vmem>> -> memref<1x128x128xf32, #tpu.memory_space<vmem>>
    %dma_wait3A_147 = tpu.memref_squeeze %dma_wait3A_146 : memref<1x128x128xf32, #tpu.memory_space<vmem>> -> memref<128x128xf32, #tpu.memory_space<vmem>>
    %dma_wait3A_148 = arith.constant 0 : i32
    %dma_wait3A_149 = tpu.memref_slice %arg6[%dma_wait3A_142, %dma_wait3A_148] : memref<4x128xi32, #tpu.memory_space<vmem>> -> memref<1x128xi32, #tpu.memory_space<vmem>>
    %dma_wait3A_150 = tpu.memref_squeeze %dma_wait3A_149 : memref<1x128xi32, #tpu.memory_space<vmem>> -> memref<128xi32, #tpu.memory_space<vmem>>
    %dma_wait3A_151 = arith.constant 0 : i32
    %dma_wait3A_152 = arith.constant 0 : i32
    %dma_wait3A_153 = tpu.memref_slice %arg5[%dma_wait3A_151, %dma_wait3A_152] : memref<1000x128xf32, #tpu.memory_space<vmem_shared>> -> memref<1000x128xf32, #tpu.memory_space<vmem_shared>>
    tpu.wait_indirect_dma semaphore(%arg9 : memref<!tpu.dma_semaphore, #tpu.memory_space<semaphore_mem>>) src(%dma_wait3A_153 : memref<1000x128xf32, #tpu.memory_space<vmem_shared>>) dst(%dma_wait3A_147 : memref<128x128xf32, #tpu.memory_space<vmem>>)
    %mul3A_154 = arith.constant 512 : i32
    %mul3A_155 = arith.muli %add3A, %mul3A_154 : i32
    %add3A_156 = arith.constant 256 : i32
    %add3A_157 = arith.addi %mul3A_155, %add3A_156 : i32
    %dma_start3A_158 = arith.constant 2 : i32
    %dma_start3A_159 = arith.constant 0 : i32
    %dma_start3A_160 = arith.constant 0 : i32
    %dma_start3A_161 = tpu.memref_slice %arg7[%dma_start3A_158, %dma_start3A_159, %dma_start3A_160] : memref<4x128x128xf32, #tpu.memory_space<vmem>> -> memref<1x128x128xf32, #tpu.memory_space<vmem>>
    %dma_start3A_162 = tpu.memref_squeeze %dma_start3A_161 : memref<1x128x128xf32, #tpu.memory_space<vmem>> -> memref<128x128xf32, #tpu.memory_space<vmem>>
    %dma_start3A_163 = arith.constant 0 : i32
    %dma_start3A_164 = tpu.memref_slice %arg4[%add3A_157, %dma_start3A_163] : memref<16384x128xf32, #tpu.memory_space<hbm>> -> memref<128x128xf32, #tpu.memory_space<hbm>>
    %dma_start3A_165 = arith.constant 0 : i32
    %dma_start3A_166 = tpu.memref_slice %arg4[%add3A_157, %dma_start3A_165] : memref<16384x128xf32, #tpu.memory_space<hbm>> -> memref<128x128xf32, #tpu.memory_space<hbm>>
    %dma_start3A_167 = arith.constant 0 : i32
    %dma_start3A_168 = arith.constant 0 : i32
    %dma_start3A_169 = tpu.memref_slice %arg7[%dma_start3A_158, %dma_start3A_167, %dma_start3A_168] : memref<4x128x128xf32, #tpu.memory_space<vmem>> -> memref<1x128x128xf32, #tpu.memory_space<vmem>>
    %dma_start3A_170 = tpu.memref_squeeze %dma_start3A_169 : memref<1x128x128xf32, #tpu.memory_space<vmem>> -> memref<128x128xf32, #tpu.memory_space<vmem>>
    tpu.enqueue_dma source(%dma_start3A_170 : memref<128x128xf32, #tpu.memory_space<vmem>>) target(%dma_start3A_166 : memref<128x128xf32, #tpu.memory_space<hbm>>) target_semaphore(%arg10 : memref<!tpu.dma_semaphore, #tpu.memory_space<semaphore_mem>>)
    %dma_wait3A_171 = arith.constant 3 : i32
    %dma_wait3A_172 = arith.constant 3 : i32
    %dma_wait3A_173 = arith.constant 0 : i32
    %dma_wait3A_174 = arith.constant 0 : i32
    %dma_wait3A_175 = tpu.memref_slice %arg7[%dma_wait3A_172, %dma_wait3A_173, %dma_wait3A_174] : memref<4x128x128xf32, #tpu.memory_space<vmem>> -> memref<1x128x128xf32, #tpu.memory_space<vmem>>
    %dma_wait3A_176 = tpu.memref_squeeze %dma_wait3A_175 : memref<1x128x128xf32, #tpu.memory_space<vmem>> -> memref<128x128xf32, #tpu.memory_space<vmem>>
    %dma_wait3A_177 = arith.constant 0 : i32
    %dma_wait3A_178 = tpu.memref_slice %arg6[%dma_wait3A_171, %dma_wait3A_177] : memref<4x128xi32, #tpu.memory_space<vmem>> -> memref<1x128xi32, #tpu.memory_space<vmem>>
    %dma_wait3A_179 = tpu.memref_squeeze %dma_wait3A_178 : memref<1x128xi32, #tpu.memory_space<vmem>> -> memref<128xi32, #tpu.memory_space<vmem>>
    %dma_wait3A_180 = arith.constant 0 : i32
    %dma_wait3A_181 = arith.constant 0 : i32
    %dma_wait3A_182 = tpu.memref_slice %arg5[%dma_wait3A_180, %dma_wait3A_181] : memref<1000x128xf32, #tpu.memory_space<vmem_shared>> -> memref<1000x128xf32, #tpu.memory_space<vmem_shared>>
    tpu.wait_indirect_dma semaphore(%arg9 : memref<!tpu.dma_semaphore, #tpu.memory_space<semaphore_mem>>) src(%dma_wait3A_182 : memref<1000x128xf32, #tpu.memory_space<vmem_shared>>) dst(%dma_wait3A_176 : memref<128x128xf32, #tpu.memory_space<vmem>>)
    %mul3A_183 = arith.constant 512 : i32
    %mul3A_184 = arith.muli %add3A, %mul3A_183 : i32
    %add3A_185 = arith.constant 384 : i32
    %add3A_186 = arith.addi %mul3A_184, %add3A_185 : i32
    %dma_start3A_187 = arith.constant 3 : i32
    %dma_start3A_188 = arith.constant 0 : i32
    %dma_start3A_189 = arith.constant 0 : i32
    %dma_start3A_190 = tpu.memref_slice %arg7[%dma_start3A_187, %dma_start3A_188, %dma_start3A_189] : memref<4x128x128xf32, #tpu.memory_space<vmem>> -> memref<1x128x128xf32, #tpu.memory_space<vmem>>
    %dma_start3A_191 = tpu.memref_squeeze %dma_start3A_190 : memref<1x128x128xf32, #tpu.memory_space<vmem>> -> memref<128x128xf32, #tpu.memory_space<vmem>>
    %dma_start3A_192 = arith.constant 0 : i32
    %dma_start3A_193 = tpu.memref_slice %arg4[%add3A_186, %dma_start3A_192] : memref<16384x128xf32, #tpu.memory_space<hbm>> -> memref<128x128xf32, #tpu.memory_space<hbm>>
    %dma_start3A_194 = arith.constant 0 : i32
    %dma_start3A_195 = tpu.memref_slice %arg4[%add3A_186, %dma_start3A_194] : memref<16384x128xf32, #tpu.memory_space<hbm>> -> memref<128x128xf32, #tpu.memory_space<hbm>>
    %dma_start3A_196 = arith.constant 0 : i32
    %dma_start3A_197 = arith.constant 0 : i32
    %dma_start3A_198 = tpu.memref_slice %arg7[%dma_start3A_187, %dma_start3A_196, %dma_start3A_197] : memref<4x128x128xf32, #tpu.memory_space<vmem>> -> memref<1x128x128xf32, #tpu.memory_space<vmem>>
    %dma_start3A_199 = tpu.memref_squeeze %dma_start3A_198 : memref<1x128x128xf32, #tpu.memory_space<vmem>> -> memref<128x128xf32, #tpu.memory_space<vmem>>
    tpu.enqueue_dma source(%dma_start3A_199 : memref<128x128xf32, #tpu.memory_space<vmem>>) target(%dma_start3A_195 : memref<128x128xf32, #tpu.memory_space<hbm>>) target_semaphore(%arg10 : memref<!tpu.dma_semaphore, #tpu.memory_space<semaphore_mem>>)
    %dma_wait3A_200 = arith.constant 0 : i32
    %dma_wait3A_201 = arith.constant 0 : i32
    %dma_wait3A_202 = arith.constant 0 : i32
    %dma_wait3A_203 = tpu.memref_slice %arg7[%dma_wait3A_200, %dma_wait3A_201, %dma_wait3A_202] : memref<4x128x128xf32, #tpu.memory_space<vmem>> -> memref<1x128x128xf32, #tpu.memory_space<vmem>>
    %dma_wait3A_204 = tpu.memref_squeeze %dma_wait3A_203 : memref<1x128x128xf32, #tpu.memory_space<vmem>> -> memref<128x128xf32, #tpu.memory_space<vmem>>
    %dma_wait3A_205 = arith.constant 0 : i32
    %dma_wait3A_206 = tpu.memref_slice %arg4[%add3A_99, %dma_wait3A_205] : memref<16384x128xf32, #tpu.memory_space<hbm>> -> memref<128x128xf32, #tpu.memory_space<hbm>>
    %dma_wait3A_207 = arith.constant 0 : i32
    %dma_wait3A_208 = tpu.memref_slice %arg4[%add3A_99, %dma_wait3A_207] : memref<16384x128xf32, #tpu.memory_space<hbm>> -> memref<128x128xf32, #tpu.memory_space<hbm>>
    %dma_wait3A_209 = arith.constant 0 : i32
    %dma_wait3A_210 = arith.constant 0 : i32
    %dma_wait3A_211 = tpu.memref_slice %arg7[%dma_wait3A_200, %dma_wait3A_209, %dma_wait3A_210] : memref<4x128x128xf32, #tpu.memory_space<vmem>> -> memref<1x128x128xf32, #tpu.memory_space<vmem>>
    %dma_wait3A_212 = tpu.memref_squeeze %dma_wait3A_211 : memref<1x128x128xf32, #tpu.memory_space<vmem>> -> memref<128x128xf32, #tpu.memory_space<vmem>>
    tpu.wait_dma2 semaphore(%arg10 : memref<!tpu.dma_semaphore, #tpu.memory_space<semaphore_mem>>) src(%dma_wait3A_212 : memref<128x128xf32, #tpu.memory_space<vmem>>) dst(%dma_wait3A_208 : memref<128x128xf32, #tpu.memory_space<hbm>>)
    %dma_wait3A_213 = arith.constant 1 : i32
    %dma_wait3A_214 = arith.constant 0 : i32
    %dma_wait3A_215 = arith.constant 0 : i32
    %dma_wait3A_216 = tpu.memref_slice %arg7[%dma_wait3A_213, %dma_wait3A_214, %dma_wait3A_215] : memref<4x128x128xf32, #tpu.memory_space<vmem>> -> memref<1x128x128xf32, #tpu.memory_space<vmem>>
    %dma_wait3A_217 = tpu.memref_squeeze %dma_wait3A_216 : memref<1x128x128xf32, #tpu.memory_space<vmem>> -> memref<128x128xf32, #tpu.memory_space<vmem>>
    %dma_wait3A_218 = arith.constant 0 : i32
    %dma_wait3A_219 = tpu.memref_slice %arg4[%add3A_128, %dma_wait3A_218] : memref<16384x128xf32, #tpu.memory_space<hbm>> -> memref<128x128xf32, #tpu.memory_space<hbm>>
    %dma_wait3A_220 = arith.constant 0 : i32
    %dma_wait3A_221 = tpu.memref_slice %arg4[%add3A_128, %dma_wait3A_220] : memref<16384x128xf32, #tpu.memory_space<hbm>> -> memref<128x128xf32, #tpu.memory_space<hbm>>
    %dma_wait3A_222 = arith.constant 0 : i32
    %dma_wait3A_223 = arith.constant 0 : i32
    %dma_wait3A_224 = tpu.memref_slice %arg7[%dma_wait3A_213, %dma_wait3A_222, %dma_wait3A_223] : memref<4x128x128xf32, #tpu.memory_space<vmem>> -> memref<1x128x128xf32, #tpu.memory_space<vmem>>
    %dma_wait3A_225 = tpu.memref_squeeze %dma_wait3A_224 : memref<1x128x128xf32, #tpu.memory_space<vmem>> -> memref<128x128xf32, #tpu.memory_space<vmem>>
    tpu.wait_dma2 semaphore(%arg10 : memref<!tpu.dma_semaphore, #tpu.memory_space<semaphore_mem>>) src(%dma_wait3A_225 : memref<128x128xf32, #tpu.memory_space<vmem>>) dst(%dma_wait3A_221 : memref<128x128xf32, #tpu.memory_space<hbm>>)
    %dma_wait3A_226 = arith.constant 2 : i32
    %dma_wait3A_227 = arith.constant 0 : i32
    %dma_wait3A_228 = arith.constant 0 : i32
    %dma_wait3A_229 = tpu.memref_slice %arg7[%dma_wait3A_226, %dma_wait3A_227, %dma_wait3A_228] : memref<4x128x128xf32, #tpu.memory_space<vmem>> -> memref<1x128x128xf32, #tpu.memory_space<vmem>>
    %dma_wait3A_230 = tpu.memref_squeeze %dma_wait3A_229 : memref<1x128x128xf32, #tpu.memory_space<vmem>> -> memref<128x128xf32, #tpu.memory_space<vmem>>
    %dma_wait3A_231 = arith.constant 0 : i32
    %dma_wait3A_232 = tpu.memref_slice %arg4[%add3A_157, %dma_wait3A_231] : memref<16384x128xf32, #tpu.memory_space<hbm>> -> memref<128x128xf32, #tpu.memory_space<hbm>>
    %dma_wait3A_233 = arith.constant 0 : i32
    %dma_wait3A_234 = tpu.memref_slice %arg4[%add3A_157, %dma_wait3A_233] : memref<16384x128xf32, #tpu.memory_space<hbm>> -> memref<128x128xf32, #tpu.memory_space<hbm>>
    %dma_wait3A_235 = arith.constant 0 : i32
    %dma_wait3A_236 = arith.constant 0 : i32
    %dma_wait3A_237 = tpu.memref_slice %arg7[%dma_wait3A_226, %dma_wait3A_235, %dma_wait3A_236] : memref<4x128x128xf32, #tpu.memory_space<vmem>> -> memref<1x128x128xf32, #tpu.memory_space<vmem>>
    %dma_wait3A_238 = tpu.memref_squeeze %dma_wait3A_237 : memref<1x128x128xf32, #tpu.memory_space<vmem>> -> memref<128x128xf32, #tpu.memory_space<vmem>>
    tpu.wait_dma2 semaphore(%arg10 : memref<!tpu.dma_semaphore, #tpu.memory_space<semaphore_mem>>) src(%dma_wait3A_238 : memref<128x128xf32, #tpu.memory_space<vmem>>) dst(%dma_wait3A_234 : memref<128x128xf32, #tpu.memory_space<hbm>>)
    %dma_wait3A_239 = arith.constant 3 : i32
    %dma_wait3A_240 = arith.constant 0 : i32
    %dma_wait3A_241 = arith.constant 0 : i32
    %dma_wait3A_242 = tpu.memref_slice %arg7[%dma_wait3A_239, %dma_wait3A_240, %dma_wait3A_241] : memref<4x128x128xf32, #tpu.memory_space<vmem>> -> memref<1x128x128xf32, #tpu.memory_space<vmem>>
    %dma_wait3A_243 = tpu.memref_squeeze %dma_wait3A_242 : memref<1x128x128xf32, #tpu.memory_space<vmem>> -> memref<128x128xf32, #tpu.memory_space<vmem>>
    %dma_wait3A_244 = arith.constant 0 : i32
    %dma_wait3A_245 = tpu.memref_slice %arg4[%add3A_186, %dma_wait3A_244] : memref<16384x128xf32, #tpu.memory_space<hbm>> -> memref<128x128xf32, #tpu.memory_space<hbm>>
    %dma_wait3A_246 = arith.constant 0 : i32
    %dma_wait3A_247 = tpu.memref_slice %arg4[%add3A_186, %dma_wait3A_246] : memref<16384x128xf32, #tpu.memory_space<hbm>> -> memref<128x128xf32, #tpu.memory_space<hbm>>
    %dma_wait3A_248 = arith.constant 0 : i32
    %dma_wait3A_249 = arith.constant 0 : i32
    %dma_wait3A_250 = tpu.memref_slice %arg7[%dma_wait3A_239, %dma_wait3A_248, %dma_wait3A_249] : memref<4x128x128xf32, #tpu.memory_space<vmem>> -> memref<1x128x128xf32, #tpu.memory_space<vmem>>
    %dma_wait3A_251 = tpu.memref_squeeze %dma_wait3A_250 : memref<1x128x128xf32, #tpu.memory_space<vmem>> -> memref<128x128xf32, #tpu.memory_space<vmem>>
    tpu.wait_dma2 semaphore(%arg10 : memref<!tpu.dma_semaphore, #tpu.memory_space<semaphore_mem>>) src(%dma_wait3A_251 : memref<128x128xf32, #tpu.memory_space<vmem>>) dst(%dma_wait3A_247 : memref<128x128xf32, #tpu.memory_space<hbm>>)
    return
  }
}

</mosaic_0001>

<sc_bundles>
// kernel: kernel.3.cloned.1.call-start
scs
__scs_entry_jumppad:
0x0: {  	(pc) =	sbr.rel $0x88, $3  }
0x1: {  	(tag) =	ssettag $0x0;
	lr =	simm.s32 $0x1  }
0x2: {  	[smem:$0x3F9F] =	sst lr;
	_ =	strace $0xD0000000  }
0x3: {  	_ = 	snop  }
0x4: {  	_ = 	snop  }
0x5: {  	_ = 	snop  }
0x6: {  	_ = 	snop  }
0x7: {  	_ = 	snop  }
__scs_overlays_trampoline_lowered:
0x8: {  	[smem:$0x3FAE] =	sst s0  }
0x9: {  	[smem:$0x3FAF] =	sst s1  }
0xa: {  	[smem:$0x3FB0] =	sst s2  }
0xb: {  	[smem:$0x3FB1] =	sst s3  }
0xc: {  	[smem:$0x3FB2] =	sst s4  }
0xd: {  	[smem:$0x3FB3] =	sst s5  }
0xe: {  	[smem:$0x3FB4] =	sst s6  }
0xf: {  	[smem:$0x3FB5] =	sst s7  }
0x10: {  	[smem:$0x3FB6] =	sst s8  }
0x11: {  	[smem:$0x3FB7] =	sst s9;
	s0 =	simm.s32 @!p0 $0x0  }
0x12: {  	s1 =	sld [smem:$0x3F9D];
	s0 =	simm.s32 @p0 $0x1  }
0x13: {  	[smem:$0x3FB8] =	sst s0;
	s0 =	simm.s32 @!p1 $0x0  }
0x14: {  	s2 =	sld [smem:$0x3F9C];
	s0 =	simm.s32 @p1 $0x1  }
0x15: {  	[smem:$0x3FB9] =	sst s0;
	s0 =	simm.s32 @!p2 $0x0  }
0x16: {  	s3 =	sld [smem:$0x3FDB];
	s0 =	simm.s32 @p2 $0x1  }
0x17: {  	s4 =	simm.s32 $0x1BF5;
	[smem:$0x3FBB] =	sst s0  }
0x18: {  	s0 =	sld [smem:$0x3F9E];
	_ =	swait.ge [sflag:s4], $0x0  }
0x19: {  	s7 =	sld [smem:$0x3F9F]  }
0x1a: {  	s8 =	sadd.s32 $0xFFFFE003, lr  }
0x1b: {  	s9 =	sadd.s32 $0xFFFFFEF7, lr;
	s5 =	simm.s32 $0xFFFFFFFF;
	p2 =	slt.u32 s8, $0xFFFFF086  }
0x1c: {  	p1 =	slt.u32 s9, $0xF7A;
	s5 =	simm.s32 @!p2 $0x0  }
0x1d: {  	s5 =	simm.s32 @p1 $0x1;
	p0 =	seq.s32 s7, s2  }
0x1e: {  	s7 =	smul.u32 @!p0 $0xF7A, s2;
	p2 =	seq.s32 @!p0 s5, $0x0  }
0x1f: {  	s9 =	smul.u32 $0xF7A, s1;
	s8 =	simm.s32 @!p0 $0x1BF5;
	p2 =	por !p2, p0  }
0x20: {  	[sflag:s8] =	ssyncset.s32 @!p0 $0xFFFFF086;
	s6 =	sadd.s32 @!p0 s3, s7;
	s7 =	simm.s32 @!p0 $0x108  }
0x21: {  	s3 =	sadd.s32 s3, s9;
	s6 =	sadd.s32 @!p0 $0x88, s6;
	s7 =	simm.s32 @p2 $0x1082  }
0x22: {  	[simem:s7], [sflag:s8] =	dma.local @!p0 [hbm:s6], $0xF7A  }
0x23: {  	s9 =	sor.u32 $0xD0000000, s2;
	s6 =	simm.s32 $0x108;
	_ =	swait.ge @!p0 [sflag:s8], $0x0  }
0x24: {  	s3 =	sadd.s32 $0x88, s3;
	s6 =	simm.s32 @!p1 $0x1082;
	[sflag:s4] =	ssyncset.s32 $0xFFFFF086  }
0x25: {  	[simem:s6], [sflag:s4] =	dma.local [hbm:s3], $0xF7A  }
0x26: {  	[smem:$0x3F9F] =	sst s1;
	(tag) =	ssettag s2;
	_ =	strace s9  }
0x27: {  	s1 =	sld [smem:$0x3FAF]  }
0x28: {  	s2 =	sld [smem:$0x3FB0]  }
0x29: {  	s4 =	sld [smem:$0x3FB2]  }
0x2a: {  	p0 =	seq.s32 s5, $0x0;
	s5 =	sld [smem:$0x3FB3]  }
0x2b: {  	s6 =	sld [smem:$0x3FB4]  }
0x2c: {  	s7 =	sld [smem:$0x3FB5]  }
0x2d: {  	s3 =	simm.s32 $0x108;
	s8 =	sld [smem:$0x3FB6]  }
0x2e: {  	s3 =	simm.s32 @!p0 $0x1082;
	s9 =	sld [smem:$0x3FB7]  }
0x2f: {  	lr =	sadd.s32 s0, s3;
	s0 =	sld [smem:$0x3FAE]  }
0x30: {  	s3 =	sld [smem:$0x3FB1]  }
0x31: {  	[smem:$0x3FBA] =	sst s10  }
0x32: {  	s10 =	sld [smem:$0x3FB8];
	_ =	sdelay $0x3  }
0x33: {  	p0 =	seq.s32 s10, $0x1;
	s10 =	sld [smem:$0x3FBA];
	_ =	sdelay $0x3  }
0x34: {  	[smem:$0x3FBA] =	sst s10  }
0x35: {  	s10 =	sld [smem:$0x3FB9];
	_ =	sdelay $0x3  }
0x36: {  	p1 =	seq.s32 s10, $0x1;
	s10 =	sld [smem:$0x3FBA];
	_ =	sdelay $0x3  }
0x37: {  	[smem:$0x3FBA] =	sst s10  }
0x38: {  	s10 =	sld [smem:$0x3FBB]  }
0x39: {  	_ = 	snop;
	(pc) =	sbr.ind lr, $3  }
0x3a: {  	_ = 	snop  }
0x3b: {  	_ = 	snop  }
0x3c: {  	p2 =	seq.s32 s10, $0x1;
	s10 =	sld [smem:$0x3FBA]  }
0x3d: {  	_ =	shalt  }
0x3e: {  	_ =	shalt  }
0x3f: {  	_ =	shalt  }
0x40: {  	_ =	shalt  }
0x41: {  	_ =	shalt  }
0x42: {  	_ =	shalt  }
0x43: {  	_ =	shalt  }
0x44: {  	_ =	shalt  }
0x45: {  	_ =	shalt  }
0x46: {  	_ =	shalt  }
0x47: {  	_ =	shalt  }
0x48: {  	_ =	shalt  }
0x49: {  	_ =	shalt  }
0x4a: {  	_ =	shalt  }
0x4b: {  	_ =	shalt  }
0x4c: {  	_ =	shalt  }
0x4d: {  	_ =	shalt  }
0x4e: {  	_ =	shalt  }
0x4f: {  	_ =	shalt  }
0x50: {  	_ =	shalt  }
0x51: {  	_ =	shalt  }
0x52: {  	_ =	shalt  }
0x53: {  	_ =	shalt  }
0x54: {  	_ =	shalt  }
0x55: {  	_ =	shalt  }
0x56: {  	_ =	shalt  }
0x57: {  	_ =	shalt  }
0x58: {  	_ =	shalt  }
0x59: {  	_ =	shalt  }
0x5a: {  	_ =	shalt  }
0x5b: {  	_ =	shalt  }
0x5c: {  	_ =	shalt  }
0x5d: {  	_ =	shalt  }
0x5e: {  	_ =	shalt  }
0x5f: {  	_ =	shalt  }
0x60: {  	_ =	shalt  }
0x61: {  	_ =	shalt  }
0x62: {  	_ =	shalt  }
0x63: {  	_ =	shalt  }
0x64: {  	_ =	shalt  }
0x65: {  	_ =	shalt  }
0x66: {  	_ =	shalt  }
0x67: {  	_ =	shalt  }
0x68: {  	_ =	shalt  }
0x69: {  	_ =	shalt  }
0x6a: {  	_ =	shalt  }
0x6b: {  	_ =	shalt  }
0x6c: {  	_ =	shalt  }
0x6d: {  	_ =	shalt  }
0x6e: {  	_ =	shalt  }
0x6f: {  	_ =	shalt  }
0x70: {  	_ =	shalt  }
0x71: {  	_ =	shalt  }
0x72: {  	_ =	shalt  }
0x73: {  	_ =	shalt  }
0x74: {  	_ =	shalt  }
0x75: {  	_ =	shalt  }
0x76: {  	_ =	shalt  }
0x77: {  	_ =	shalt  }
0x78: {  	_ =	shalt  }
0x79: {  	_ =	shalt  }
0x7a: {  	_ =	shalt  }
0x7b: {  	_ =	shalt  }
0x7c: {  	_ =	shalt  }
0x7d: {  	_ =	shalt  }
0x7e: {  	_ =	shalt  }
0x7f: {  	_ =	shalt  }
0x80: {  	_ =	shalt  }
0x81: {  	_ =	shalt  }
0x82: {  	_ =	shalt  }
0x83: {  	_ =	shalt  }
0x84: {  	_ =	shalt  }
0x85: {  	_ =	shalt  }
0x86: {  	_ =	shalt  }
0x87: {  	_ =	shalt  }
.Lfunc_end0:
.L_simem_size_0:
called_computation_lowered:
.L_overlay_start_0:
0x88: {  	s2 =	sld [smem:$0x3FD9]  }
0x89: {  	s3 =	sld [smem:$0x3FFE];
	_ =	sdelay $0x1  }
0x8a: {  	s1 =	srdreg.scid  }
0x8b: {  	s0 =	sand.u32 $0x1, s1  }
0x8c: {  	s18 =	sshll.u32 s0, $0xA;
	s2 =	sadd.s32 s3, s2  }
0x8d: {  	s2 =	sadd.s32 s2, s18  }
0x8e: {  	[smem:$0x3FC6] =	sst s2  }
0x8f: {  	_ = 	snop  }
0x90: {  	s2 =	sld [smem:$0x3FC9]  }
0x91: {  	s19 =	sld [smem:$0x3FC8]  }
0x92: {  	s4 =	sld [smem:$0x3FD0];
	(tm) =	ssettm $0x1  }
0x93: {  	s5 =	sld [smem:$0x3FFB];
	_ =	sdelay $0x3  }
0x94: {  	_ =	strace s5  }
0x95: {  	s5 =	sld [smem:$0x3FFC];
	_ =	sdelay $0x3  }
0x96: {  	_ =	strace s5  }
0x97: {  	s5 =	sld [smem:$0x3FFD];
	_ =	sdelay $0x3  }
0x98: {  	_ =	strace s5  }
0x99: {  	_ =	strace $0x8FFFFFFF  }
0x9a: {  	s20 =	sld [smem:$0x3FDB];
	_ =	sdelay $0x1  }
0x9b: {  	s6 =	simm.s32 $_scs_section_size  }
0x9c: {  	s7 =	simm.s32 $_size__tile_overlayer_lowered;
	s8 =	simm.s32 $_tile_overlayer_lowered  }
0x9d: {  	s23 =	simm.s32 $0x1BFF;
	s22 =	sshll.u32 s8, $0x1;
	s5 =	sadd.s32 s6, s20  }
0x9e: {  	s9 =	simm.s32 $0x0;
	s21 =	sshll.u32 s7, $0x1;
	s7 =	sadd.s32 s22, s5  }
0x9f: {  	[timem:s9], [sflag:s23] =	dma.local [hbm:s7], s21  }
0xa0: {  	_ =	swait.ge [sflag:s23], s21  }
0xa1: {  	s6 =	ssub.s32 $0x0, s21;
	[sflag:s23] =	ssyncset.done $0x0  }
0xa2: {  	[sflag:s23] =	ssyncadd.s32 s6;
	_ =	sdelay $0x1  }
0xa3: {  	s24 =	simm.s32 $0x1B8B  }
0xa4: {  	_ =	swait.ge [sflag:s24], $0x1  }
0xa5: {  	[sflag:s24] =	ssyncset.done $0x0  }
0xa6: {  	s25 =	simm.s32 $0x1B8E;
	[sflag:s24] =	ssyncadd.s32 $0xFFFFFFFF  }
0xa7: {  	s26 =	simm.s32 $execute0_lowered;
	[smem:$0x3FD2] =	sst s25  }
0xa8: {  	s6 =	sshll.u32 s26, $0x1;
	_ =	strace $0x80000046;
	[dreg:$0x1] =	wrdreg $0xFFFFFFFF  }
0xa9: {  	s28 =	simm.s32 $_size_execute0_lowered;
	s5 =	sadd.s32 s5, s6;
	[dreg:$0x0] =	wrdreg $0x0  }
0xaa: {  	s6 =	sshll.u32 s28, $0x1;
	[dreg:$0x2] =	wrdreg s5  }
0xab: {  	[dreg:$0x3] =	wrdreg s6  }
0xac: {  	[dreg:$0x4] =	wrdreg $0xC0  }
0xad: {  	_ =	task [dreg:s9], $0x5FFFF  }
0xae: {  	[dreg:$0x1] =	wrdreg $0xFFFFFFFF  }
0xaf: {  	[dreg:$0x0] =	wrdreg $0x60  }
0xb0: {  	[dreg:$0x2] =	wrdreg s19  }
0xb1: {  	[dreg:$0x3] =	wrdreg s2  }
0xb2: {  	[dreg:$0x4] =	wrdreg s4  }
0xb3: {  	[dreg:$0x5] =	wrdreg $0x0  }
0xb4: {  	[dreg:$0x6] =	wrdreg $0x9  }
0xb5: {  	_ =	task.clear_ibuf [dreg:s9], $0x7FFFF;
	_ =	strace $0x90000046  }
0xb6: {  	s29 =	simm.s32 $0x9;
	_ =	strace $0x80000048  }
0xb7: {  	_ =	swait.ge [sflag:s29], $0x1  }
0xb8: {  	[sflag:s29] =	ssyncadd.s32 $0xFFFFFFFF  }
0xb9: {  	_ =	strace $0x90000048  }
0xba: {  	_ =	sfence  }
0xbb: {  	s30 =	sld [smem:$0x0];
	_ =	sdelay $0x2  }
0xbc: {  	s31 =	sshll.u32 s1, $0xD;
	s1 =	sshrl.u32 s1, $0x2  }
0xbd: {  	s3 =	sand.u32 $0x4000, s31;
	s1 =	sadd.s32 s1, s30  }
0xbe: {  	s0 =	sor.u32 s3, s0;
	s1 =	sshll.u32 s1, $0x11  }
0xbf: {  	s0 =	sor.u32 s1, s0  }
0xc0: {  	s0 =	sadd.s32 $0x8F2B, s0  }
0xc1: {  	[sflag:s0] =	ssyncadd.remote.s32 $0x1  }
0xc2: {  	_ =	sfence.sel $0xFFFF  }
0xc3: {  	[dreg:$0x0] =	wrdreg $0xFFFFFFFF;
	(pc) =	sbr.abs _section_cstart, $3  }
0xc4: {  	[dreg:$0x1] =	wrdreg $0xFFFFFFFF  }
0xc5: {  	_ =	task.clear_ibuf [dreg:s9], $0x2FFFF;
	_ =	strace $0x9FFFFFFF  }
0xc6: {  	(tm) =	ssettm $0x7FFFFFFF  }
0xc7: {  	_ =	shalt  }
tec
execute0_lowered:
.L_overlay_start_1:
0x0: {  	(tag) =	ssettag $0x1  }
0x1: {  	s12 =	rddreg [dreg:$0x0]  }
0x2: {  	s0 =	rddreg [dreg:$0x1];
	s9 =	stileid.u32  }
0x3: {  	s1 =	rddreg [dreg:$0x2];
	p3 =	sgt.s32 s9, $0x1  }
0x4: {  	s3 =	rddreg [dreg:$0x3];
	p0 =	seq.s32 @p3 s9, $0x2  }
0x5: {  	s4 =	simm.s32 $0x0;
	s2 =	srdreg.scid;
	p1 =	por p0, !p3  }
0x6: {  	s28 =	simm.s32 $0x4;
	p2 =	por !p0, !p3;
	p1 =	seq.s32 @!p1 s9, $0x3  }
0x7: {  	s29 =	simm.s32 $0x80;
	s5 =	simm.s32 @!p2 $0x0;
	p0 =	por @p3 !p1, p0  }
0x8: {  	s30 =	simm.s32 $0x2140;
	s5 =	simm.s32 @p2 $0x1;
	p0 =	por p0, !p3  }
0x9: {  	s31 =	simm.s32 $0x1FC0;
	[smem:$0x7FB] =	sst s5;
	s5 =	simm.s32 @!p0 $0x0  }
0xa: {  	s2 =	sand.u32 $0x1, s2;
	s5 =	simm.s32 @p0 $0x1;
	p0 =	sgt.s32 s9, $0x5  }
0xb: {  	[smem:$0x7FF] =	sst s4;
	s7 =	sadd.s32 $0x3800, s12;
	p6 =	seq.s32 @!p0 s9, $0x4  }
0xc: {  	s8 =	sadd.s32 $0x3000, s12;
	s10 =	sadd.s32 $0x2800, s12;
	p1 =	por p6, p0  }
0xd: {  	s24 =	sadd.s32 $0x10000, s3;
	p4 =	seq.s32 @!p3 s9, $0x0;
	s6 =	simm.s32 @!p1 $0x0  }
0xe: {  	s20 =	sadd.s32 $0x2000, s12;
	p2 =	por p4, p3;
	s6 =	simm.s32 @p1 $0x1  }
0xf: {  	p5 =	seq.s32 @!p2 s9, $0x1;
	p2 =	por !p4, p3;
	[smem:$0x7F9] =	sst s6  }
0x10: {  	p4 =	por @!p3 !p5, p4;
	p5 =	seq.s32 @p0 s9, $0x6;
	s6 =	sld [smem:$0x7F9]  }
0x11: {  	s21 =	sshll.u32 s9, $0xA;
	p3 =	por p4, p3;
	p4 =	por p5, !p0  }
0x12: {  	s11 =	sadd.s32 $0x1800, s12;
	s22 =	sadd.s32 $0x1000, s12;
	p4 =	seq.s32 @!p4 s9, $0x7  }
0x13: {  	p1 =	por @p0 !p4, p5;
	p4 =	por !p5, !p0;
	p5 =	seq.s32 s6, $0x1  }
0x14: {  	s12 =	sadd.s32 $0x800, s12;
	s18 =	ssub.s32 $0x2, s2;
	p5 =	seq.s32 @!p5 s9, $0x5  }
0x15: {  	s2 =	sshll.u32 s2, $0x9;
	s19 =	sshrl.u32 s18, $0x1;
	s6 =	simm.s32 @!p5 $0x0  }
0x16: {  	s2 =	sor.u32 s2, s21;
	[smem:$0x7FC] =	sst s5;
	s6 =	simm.s32 @p5 $0x1  }
0x17: {  	s23 =	sshll.u32 s2, $0x4;
	s2 =	sshrl.u32 s2, $0x3;
	[smem:$0x7FA] =	sst s6  }
0x18: {  	s21 =	sadd.s32 $0x4000, s3;
	s13 =	sadd.s32 s0, s2;
	s6 =	sld [smem:$0x7FA]  }
0x19: {  	s2 =	simm.s32 $0xA140;
	_ =	strace $0x80000047;
	[dreg:$0x5] =	wrdreg s7  }
0x1a: {  	s5 =	ssub.s32 s18, s19;
	s19 =	sadd.s32 $0xC000, s3;
	[dreg:$0x6] =	wrdreg s8  }
0x1b: {  	s18 =	sadd.s32 $0x8000, s3;
	s21 =	sshrl.u32 @!p3 s21, $0x3;
	[dreg:$0x7] =	wrdreg s10  }
0x1c: {  	s17 =	smax.u32 s5, $0x1;
	s5 =	simm.s32 $0x20C0;
	[dreg:$0x8] =	wrdreg s20  }
0x1d: {  	p5 =	por p1, !p0;
	s7 =	sadd.s32 $0x18000, s3;
	[dreg:$0x9] =	wrdreg s11  }
0x1e: {  	s8 =	sadd.s32 $0x14000, s3;
	[dreg:$0xa] =	wrdreg s22;
	s11 =	sadd.s32 s1, s23  }
0x1f: {  	s20 =	sshrl.u32 @!p2 s3, $0x3;
	s1 =	simm.s32 $0x6140;
	s14 =	sadd.s32 $0x800, s11  }
0x20: {  	s15 =	sadd.s32 $0x1000, s11;
	s16 =	sadd.s32 $0x1800, s11;
	s25 =	sld [smem:$0x7FB]  }
0x21: {  	s26 =	sld [smem:$0x7FC];
	s22 =	sshrl.u32 @!p4 s7, $0x3;
	p1 =	seq.s32 s6, $0x1  }
0x22: {  	s7 =	simm.s32 $0x2;
	s6 =	sadd.s32 $0x1C000, s3;
	p1 =	por @!p0 !p1, p6  }
0x23: {  	p6 =	por !p6, p0;
	p0 =	por p1, p0;
	p1 =	seq.s32 s25, $0x1  }
.Ltmp0:
0x24: {  	s18 =	sshrl.u32 @!p1 s18, $0x3;
	p1 =	seq.s32 s26, $0x1;
	(pc) =	sbr.rel .LBB2_1-.Ltmp0, $4  }
0x25: {  	s23 =	sshrl.u32 @!p5 s6, $0x3;
	s19 =	sshrl.u32 @!p1 s19, $0x3;
	p1 =	sgt.s32 s9, $0x3  }
0x26: {  	s6 =	simm.s32 $0xE140;
	s24 =	sshrl.u32 @!p6 s24, $0x3;
	s0 =	simm.s32 @!p1 $0x0  }
0x27: {  	s25 =	sshrl.u32 @!p0 s8, $0x3;
	s26 =	simm.s32 $0x1F40;
	s0 =	simm.s32 @p1 $0x1  }
0x28: {  	s8 =	simm.s32 $0x3;
	[smem:$0x7FD] =	sst s0;
	s0 =	simm.s32 $0x2040  }
.LBB2_3:
0x29: {  	s9 =	simm.s32 @!p4 $0x1D81;
	s10 =	rddreg [dreg:$0x6]  }
0x2a: {  	[spmem:s22], [sflag:s9] =	dma.local @!p4 [hbm:s10], $0x800  }
0x2b: {  	s9 =	simm.s32 @!p4 $0x1  }
0x2c: {  	_ =	swait.ge @!p4 [sflag:s9], $0x800  }
0x2d: {  	[sflag:s9] =	ssyncset.done @!p4 $0x0  }
0x2e: {  	s10 =	rddreg [dreg:$0x5];
	[sflag:s9] =	ssyncadd.s32 @!p4 $0xFFFFF800;
	s9 =	simm.s32 @!p5 $0x1DC1  }
0x2f: {  	[spmem:s23], [sflag:s9] =	dma.local @!p5 [hbm:s10], $0x680  }
0x30: {  	s9 =	simm.s32 @!p5 $0x1  }
0x31: {  	_ =	swait.ge @!p5 [sflag:s9], $0x680  }
0x32: {  	[sflag:s9] =	ssyncset.done @!p5 $0x0  }
0x33: {  	s10 =	rddreg [dreg:$0x8];
	[sflag:s9] =	ssyncadd.s32 @!p5 $0xFFFFF980;
	s9 =	simm.s32 @!p6 $0x1D01  }
0x34: {  	[spmem:s24], [sflag:s9] =	dma.local @!p6 [hbm:s10], $0x800  }
0x35: {  	s9 =	simm.s32 @!p6 $0x1  }
0x36: {  	_ =	swait.ge @!p6 [sflag:s9], $0x800  }
0x37: {  	[sflag:s9] =	ssyncset.done @!p6 $0x0  }
0x38: {  	s10 =	rddreg [dreg:$0x7];
	[sflag:s9] =	ssyncadd.s32 @!p6 $0xFFFFF800;
	s9 =	simm.s32 @!p0 $0x1D41  }
0x39: {  	[spmem:s25], [sflag:s9] =	dma.local @!p0 [hbm:s10], $0x800  }
0x3a: {  	s9 =	simm.s32 @!p0 $0x1  }
0x3b: {  	_ =	swait.ge @!p0 [sflag:s9], $0x800  }
0x3c: {  	[sflag:s9] =	ssyncset.done @!p0 $0x0  }
0x3d: {  	[sflag:s9] =	ssyncadd.s32 @!p0 $0xFFFFF800  }
.LBB2_4:
0x3e: {  	[tilespmem:s26], [sflag:$0x4] =	stream.linear.gather [hbm4b:s13+s4], $0x200, $0x38;
	[tilespmem:$0x12140] =	vst v63  }
0x3f: {  	_ =	swait.ge [sflag:s28], $0x200  }
0x40: {  	[sflag:s28] =	ssyncset.done $0x0  }
0x41: {  	[sflag:s28] =	ssyncadd.s32 $0xFFFFFE00  }
0x42: {  	[bflag:$0x0] =	sbarrier.arrive $0xFFFF  }
0x43: {  	[tilespmem:s30], [sflag:$0x2] =	stream.indirect.gather [spmem:s3], $0x80, s26, s29, $0xb8;
	[tilespmem:$0x12140] =	vst v63  }
0x44: {  	_ = 	snop  }
0x45: {  	[tilespmem:s1], [sflag:$0x2] =	stream.indirect.gather [spmem:s3], $0x80, s31, s29, $0xb8;
	[tilespmem:$0x12140] =	vst v63  }
0x46: {  	_ = 	snop  }
0x47: {  	[tilespmem:s2], [sflag:$0x2] =	stream.indirect.gather [spmem:s3], $0x80, s0, s29, $0xb8;
	[tilespmem:$0x12140] =	vst v63  }
0x48: {  	_ = 	snop  }
0x49: {  	[tilespmem:s6], [sflag:$0x2] =	stream.indirect.gather [spmem:s3], $0x80, s5, s29, $0xb8;
	[tilespmem:$0x12140] =	vst v63  }
0x4a: {  	_ =	swait.ge [sflag:s7], $0x4000  }
0x4b: {  	[sflag:s7] =	ssyncset.done $0x0  }
0x4c: {  	[sflag:s7] =	ssyncadd.s32 $0xFFFFC000  }
0x4d: {  	[hbm4b:s11+s4] =	stream.linear.scatter [tilespmem:s30], [sflag:$0x3], $0x4000, $0x38;
	[tilespmem:$0x12140] =	vst v63  }
0x4e: {  	_ =	swait.ge [sflag:s7], $0x4000  }
0x4f: {  	[sflag:s7] =	ssyncset.done $0x0  }
0x50: {  	[sflag:s7] =	ssyncadd.s32 $0xFFFFC000  }
0x51: {  	[hbm4b:s14+s4] =	stream.linear.scatter [tilespmem:s1], [sflag:$0x3], $0x4000, $0x38;
	[tilespmem:$0x12140] =	vst v63  }
0x52: {  	_ =	swait.ge [sflag:s7], $0x4000  }
0x53: {  	[sflag:s7] =	ssyncset.done $0x0  }
0x54: {  	[sflag:s7] =	ssyncadd.s32 $0xFFFFC000  }
0x55: {  	[hbm4b:s15+s4] =	stream.linear.scatter [tilespmem:s2], [sflag:$0x3], $0x4000, $0x38;
	[tilespmem:$0x12140] =	vst v63  }
0x56: {  	_ =	swait.ge [sflag:s7], $0x4000  }
0x57: {  	[sflag:s7] =	ssyncset.done $0x0  }
0x58: {  	[sflag:s7] =	ssyncadd.s32 $0xFFFFC000  }
0x59: {  	[hbm4b:s16+s4] =	stream.linear.scatter [tilespmem:s6], [sflag:$0x3], $0x4000, $0x38;
	[tilespmem:$0x12140] =	vst v63  }
0x5a: {  	_ =	swait.ge [sflag:s8], $0x4000  }
0x5b: {  	[sflag:s8] =	ssyncset.done $0x0  }
0x5c: {  	[sflag:s8] =	ssyncadd.s32 $0xFFFFC000  }
0x5d: {  	_ =	swait.ge [sflag:s8], $0x4000  }
0x5e: {  	[sflag:s8] =	ssyncset.done $0x0  }
0x5f: {  	s17 =	sadd.s32 $0xFFFFFFFF, s17;
	[sflag:s8] =	ssyncadd.s32 $0xFFFFC000  }
0x60: {  	p1 =	sne.s32 s17, $0x0;
	_ =	swait.ge [sflag:s8], $0x4000  }
.Ltmp1:
0x61: {  	[sflag:s8] =	ssyncset.done $0x0;
	(pc) =	sbr.rel @!p1 .LBB2_5-.Ltmp1, $4  }
0x62: {  	[sflag:s8] =	ssyncadd.s32 $0xFFFFC000  }
0x63: {  	_ =	swait.ge [sflag:s8], $0x4000  }
0x64: {  	[sflag:s8] =	ssyncset.done $0x0  }
0x65: {  	[sflag:s8] =	ssyncadd.s32 $0xFFFFC000  }
.LBB2_1:
0x66: {  	s9 =	sld [smem:$0x7FD];
	_ =	sdelay $0x2  }
0x67: {  	p1 =	seq.s32 s9, $0x1  }
.Ltmp2:
0x68: {  	_ = 	snop;
	(pc) =	sbr.rel @p1 .LBB2_3-.Ltmp2, $1  }
0x69: {  	_ =	sdelay $0x3  }
0x6a: {  	s9 =	sld [smem:$0x7FB];
	_ =	sdelay $0x2  }
0x6b: {  	p1 =	seq.s32 s9, $0x1  }
0x6c: {  	s10 =	rddreg [dreg:$0xa];
	s9 =	simm.s32 @!p1 $0x1C81  }
0x6d: {  	[spmem:s18], [sflag:s9] =	dma.local @!p1 [hbm:s10], $0x800  }
0x6e: {  	s9 =	simm.s32 @!p1 $0x1  }
0x6f: {  	_ =	swait.ge @!p1 [sflag:s9], $0x800  }
0x70: {  	s10 =	sld [smem:$0x7FC];
	_ =	sdelay $0x1  }
0x71: {  	[sflag:s9] =	ssyncset.done @!p1 $0x0  }
0x72: {  	[sflag:s9] =	ssyncadd.s32 @!p1 $0xFFFFF800;
	p1 =	seq.s32 s10, $0x1  }
0x73: {  	s10 =	rddreg [dreg:$0x9];
	s9 =	simm.s32 @!p1 $0x1CC1  }
0x74: {  	[spmem:s19], [sflag:s9] =	dma.local @!p1 [hbm:s10], $0x800  }
0x75: {  	s9 =	simm.s32 @!p1 $0x1  }
0x76: {  	_ =	swait.ge @!p1 [sflag:s9], $0x800  }
0x77: {  	[sflag:s9] =	ssyncset.done @!p1 $0x0  }
0x78: {  	[sflag:s9] =	ssyncadd.s32 @!p1 $0xFFFFF800  }
0x79: {  	s9 =	simm.s32 @!p2 $0x1C01;
	s10 =	rddreg [dreg:$0x0]  }
0x7a: {  	[spmem:s20], [sflag:s9] =	dma.local @!p2 [hbm:s10], $0x800  }
0x7b: {  	s9 =	simm.s32 @!p2 $0x1  }
0x7c: {  	_ =	swait.ge @!p2 [sflag:s9], $0x800  }
0x7d: {  	[sflag:s9] =	ssyncset.done @!p2 $0x0  }
0x7e: {  	[sflag:s9] =	ssyncadd.s32 @!p2 $0xFFFFF800;
	s9 =	simm.s32 @!p3 $0x1C41  }
0x7f: {  	[spmem:s21], [sflag:s9] =	dma.local @!p3 [hbm:s12], $0x800  }
.Ltmp3:
0x80: {  	_ = 	snop;
	(pc) =	sbr.rel .LBB2_4-.Ltmp3, $4  }
0x81: {  	s9 =	simm.s32 @!p3 $0x1  }
0x82: {  	_ =	swait.ge @!p3 [sflag:s9], $0x800  }
0x83: {  	[sflag:s9] =	ssyncset.done @!p3 $0x0  }
0x84: {  	[sflag:s9] =	ssyncadd.s32 @!p3 $0xFFFFF800  }
.LBB2_5:
0x85: {  	_ =	sfence.sel $0x180000  }
0x86: {  	[bflag:$0x0] =	sbarrier.arrive $0xFFFF  }
0x87: {  	_ =	strace $0x90000047  }
0x88: {  	s0 =	stileid.u32;
	[bflag:$0x2] =	sbarrier.arrive $0xFFFF  }
0x89: {  	p0 =	sne.s32 s0, $0x0;
	s0 =	rddreg [dreg:$0x4]  }
0x8a: {  	s0 =	sadd.s32 @!p0 $0x100000, s0  }
0x8b: {  	[sflag:s0] =	ssyncadd.tile.s32 @!p0 $0x1;
	_ =	shalt  }
.Lfunc_end2:
_tile_overlayer_lowered:
.L_overlay_start_2:
0x8c: {  	(tag) =	ssettag $0x2  }
0x8d: {  	s0 =	rddreg [dreg:$0x0];
	s2 =	stileid.u32  }
0x8e: {  	s1 =	rddreg [dreg:$0x1];
	p0 =	sne.s32 s2, $0x0  }
0x8f: {  	s3 =	rddreg [dreg:$0x2];
	[bflag:$0x3] =	sbarrier.arrive $0xFFFF;
	s2 =	simm.s32 @!p0 $0x1C04  }
0x90: {  	[timem:s3], [sflag:s2] =	dma.local @!p0 [hbm:s0], s1  }
0x91: {  	s0 =	simm.s32 @!p0 $0x4  }
0x92: {  	_ =	swait.ge @!p0 [sflag:s0], s1  }
0x93: {  	s1 =	ssub.s32 @!p0 $0x0, s1;
	[sflag:s0] =	ssyncset.done @!p0 $0x0  }
0x94: {  	[sflag:s0] =	ssyncadd.s32 @!p0 s1  }
0x95: {  	[bflag:$0x3] =	sbarrier.arrive $0xFFFF  }
0x96: {  	_ =	shalt  }

</sc_bundles>
